<compile_context>
chip_gen: v7x
topology: tpu7x:2x2x1
jax: 0.10.2.dev20260603
libtpu: 0.0.44.dev20260713+nightly
codegen_flags: <defaults>
</compile_context>

<pallas_src>
import functools

import numpy as np
import jax
import jax.numpy as jnp
from jax import lax
from jax.experimental import pallas as pl
from jax.experimental.pallas import tpu as pltpu
from jax.experimental.pallas import tpu_sc as plsc

N, M, F, A = 16384, 8, 32, 16
MF = M * F
MA = M * A
D = MF // 2
NE = N * M

_f32 = jnp.float32

_S = np.zeros((MF, M), np.float32)
_B8 = np.zeros((M, MF), np.float32)
_KS = np.zeros((MF, F), np.float32)
for _k in range(M):
    _S[_k * F:(_k + 1) * F, _k] = 1.0
    _B8[_k, _k * F:(_k + 1) * F] = 1.0
    _KS[_k * F:(_k + 1) * F, :] = np.eye(F, dtype=np.float32)


def _phase0_body(e_ref, w_ref, o_ref):
    e2 = e_ref[...].reshape(e_ref.shape[0], MF)
    y = jnp.dot(e2, w_ref[...], preferred_element_type=_f32)
    lo = lax.bitcast_convert_type(y[:, :MF // 2].astype(jnp.bfloat16),
                                  jnp.uint16).astype(jnp.uint32)
    hi = lax.bitcast_convert_type(y[:, MF // 2:].astype(jnp.bfloat16),
                                  jnp.uint16).astype(jnp.uint32)
    o_ref[...] = lax.bitcast_convert_type(lo | (hi << 16), jnp.int32)


def _main_body(e_ref, gz_ref, ang_ref, w1t_ref, bd3_ref, s_ref, b8g_ref,
               ks_ref, scm_ref, cv_ref, o_ref):
    e = e_ref[...]
    gzu = lax.bitcast_convert_type(gz_ref[...], jnp.uint32)
    gz = jnp.concatenate(
        [lax.bitcast_convert_type(gzu << 16, _f32),
         lax.bitcast_convert_type(gzu & jnp.uint32(0xFFFF0000), _f32)],
        axis=1)
    cv = cv_ref[...]
    blin_t = cv[0:1, :]
    b1_t = cv[2:3, :]
    g2 = cv[3:4, 0:F]
    b2 = cv[3:4, F:2 * F]
    b_att = cv[3:4, 2 * F:2 * F + 1]

    ang = ang_ref[...].reshape(ang_ref.shape[0] * M, MA)
    t = (jnp.dot(e, w1t_ref[...], preferred_element_type=_f32)
         + jnp.dot(ang, bd3_ref[...], preferred_element_type=_f32))
    lin = gz + t[:, :MF] + blin_t
    att = (t[:, MF:MF + M] + b_att
           + jnp.dot(gz, scm_ref[...], preferred_element_type=_f32))
    att = jnp.where(att >= 0, att, 0.01 * att)
    ex = jnp.exp(att)
    alpha = ex / jnp.sum(ex, axis=1, keepdims=True)

    b8g = b8g_ref[...]
    x = jnp.dot(alpha, b8g[M:M + M, :], preferred_element_type=_f32) * lin
    s = s_ref[...]
    mu = jnp.dot(x, s, preferred_element_type=_f32) * (1.0 / F)
    msq = jnp.dot(x * x, s, preferred_element_type=_f32) * (1.0 / F)
    inv = lax.rsqrt(msq - mu * mu + 1e-5)
    a_sc = jnp.dot(inv, b8g[:M, :], preferred_element_type=_f32)
    c_sc = b1_t - jnp.dot(mu * inv, b8g[:M, :], preferred_element_type=_f32)
    xn = x * a_sc + c_sc
    x = jnp.log1p(jnp.exp(xn))

    y = e + jnp.dot(x, ks_ref[...], preferred_element_type=_f32)
    mu2 = jnp.mean(y, axis=1, keepdims=True)
    yc = y - mu2
    var2 = jnp.mean(yc * yc, axis=1, keepdims=True)
    y = yc * lax.rsqrt(var2 + 1e-5) * g2 + b2
    o_ref[...] = jnp.log1p(jnp.exp(y))


def _sc_gather(z, idx):
    nidx = idx.shape[0]
    zdt = z.dtype
    info = plsc.get_sparse_core_info()
    nw = info.num_cores * info.num_subcores
    b_per_w = nidx // nw
    ch = 128
    n_pair = b_per_w // (2 * ch)
    mesh = plsc.VectorSubcoreMesh(core_axis_name="c", subcore_axis_name="s")

    @functools.partial(
        pl.kernel, mesh=mesh,
        out_type=jax.ShapeDtypeStruct((nidx, D), zdt),
        scratch_types=[
            pltpu.VMEM((b_per_w,), jnp.int32),
            pltpu.VMEM((ch, D), zdt),
            pltpu.VMEM((ch, D), zdt),
            pltpu.SemaphoreType.DMA,
            pltpu.SemaphoreType.DMA,
        ],
    )
    def gather_kernel(z_hbm, idx_hbm, out_hbm, idx_v, row0_v, row1_v, sem0, sem1):
        wid = lax.axis_index("s") * info.num_cores + lax.axis_index("c")
        base = pl.multiple_of(wid * b_per_w, b_per_w)
        pltpu.sync_copy(idx_hbm.at[pl.ds(base, b_per_w)], idx_v)

        def body(i, carry):
            o = pl.multiple_of(i * 2 * ch, 2 * ch)
            cp0 = pltpu.async_copy(
                z_hbm.at[idx_v.at[pl.ds(o, ch)]], row0_v, sem0)
            cp1 = pltpu.async_copy(
                z_hbm.at[idx_v.at[pl.ds(o + ch, ch)]], row1_v, sem1)
            cp0.wait()
            pltpu.sync_copy(row0_v, out_hbm.at[pl.ds(base + o, ch)])
            cp1.wait()
            pltpu.sync_copy(row1_v, out_hbm.at[pl.ds(base + o + ch, ch)])
            return carry

        lax.fori_loop(0, n_pair, body, 0)

    return gather_kernel(z, idx)


def kernel(edge_fea, angle_fea, nbr_idx, W_lin, b_lin, W_att, b_att, g1, b1, g2, b2):
    W1, W2, W3 = W_lin[:F], W_lin[F:2 * F], W_lin[2 * F:]
    Wa1, Wa2, Wa3 = W_att[:F], W_att[F:2 * F], W_att[2 * F:]

    eye8 = jnp.eye(M, dtype=_f32)

    bd2 = jnp.kron(eye8, W2)

    c2 = jnp.linalg.solve(W2, Wa2)
    c2 = c2 + jnp.linalg.solve(W2, Wa2 - W2 @ c2)
    scm = jnp.kron(eye8, c2)

    bd3 = jnp.concatenate([jnp.kron(eye8, W3), jnp.kron(eye8, Wa3)], axis=1)

    w1t = jnp.concatenate([jnp.tile(W1, (1, M)), jnp.tile(Wa1, (1, M))], axis=1)

    b8g = jnp.concatenate([_B8 * jnp.tile(g1, M)[None, :], jnp.asarray(_B8)], axis=0)

    row3 = jnp.concatenate([g2, b2, b_att, jnp.zeros((MF - 2 * F - 1,), _f32)])
    cv = jnp.stack([jnp.tile(b_lin, M), jnp.tile(g1, M), jnp.tile(b1, M), row3])

    e_flat = edge_fea.reshape(NE, F)
    ang128 = angle_fea.reshape(N, M, MA)
    idx_flat = nbr_idx.reshape(NE)

    bn = 2048
    z = pl.pallas_call(
        _phase0_body,
        grid=(N // bn,),
        in_specs=[
            pl.BlockSpec((bn, M, F), lambda i: (i, 0, 0)),
            pl.BlockSpec((MF, MF), lambda i: (0, 0)),
        ],
        out_specs=pl.BlockSpec((bn, D), lambda i: (i, 0)),
        out_shape=jax.ShapeDtypeStruct((N, D), jnp.int32),
    )(edge_fea, bd2)

    gz = _sc_gather(z, idx_flat)

    r = 4096
    out = pl.pallas_call(
        _main_body,
        grid=(NE // r,),
        in_specs=[
            pl.BlockSpec((r, F), lambda i: (i, 0)),
            pl.BlockSpec((r, D), lambda i: (i, 0)),
            pl.BlockSpec((r // M, M, MA), lambda i: (i, 0, 0)),
            pl.BlockSpec((F, MF + M), lambda i: (0, 0)),
            pl.BlockSpec((MA, MF + M), lambda i: (0, 0)),
            pl.BlockSpec((MF, M), lambda i: (0, 0)),
            pl.BlockSpec((2 * M, MF), lambda i: (0, 0)),
            pl.BlockSpec((MF, F), lambda i: (0, 0)),
            pl.BlockSpec((MF, M), lambda i: (0, 0)),
            pl.BlockSpec((4, MF), lambda i: (0, 0)),
        ],
        out_specs=pl.BlockSpec((r, F), lambda i: (i, 0)),
        out_shape=jax.ShapeDtypeStruct((NE, F), _f32),
    )(e_flat, gz, ang128, w1t, bd3, _S, b8g, _KS, scm, cv)

    return out.reshape(N, M, F)

# --- scband reference (transcript-rebuilt; emitter-appended) ---
"""Pipeline reference for scband-conv-edge-49460843381554 (READ-ONLY COPY).

The authoritative reference and input builder live on the scoring server;
editing this copy changes nothing except your own understanding.
"""

import jax, jax.numpy as jnp
import numpy as np

N, M, F, A = 16384, 8, 32, 16


def layer_norm(x, g, b, eps=1e-5):
    mu = jnp.mean(x, axis=-1, keepdims=True)
    var = jnp.mean((x - mu) ** 2, axis=-1, keepdims=True)
    return (x - mu) / jnp.sqrt(var + eps) * g + b


def setup_inputs(seed: int = 0):
    key = jax.random.key(seed)
    ks = jax.random.split(key, 6)
    edge_fea = jax.random.normal(ks[0], (N, M, F), dtype=jnp.float32)
    angle_fea = jax.random.normal(ks[1], (N, M, M, A), dtype=jnp.float32)
    nbr_idx = jax.random.randint(ks[2], (N, M), 0, N, dtype=jnp.int32)
    cin = 2 * F + A
    W_lin = jax.random.normal(ks[3], (cin, F), dtype=jnp.float32) * 0.05
    b_lin = jnp.zeros((F,), dtype=jnp.float32)
    W_att = jax.random.normal(ks[4], (cin, 1), dtype=jnp.float32) * 0.05
    b_att = jnp.zeros((1,), dtype=jnp.float32)
    g1 = jnp.ones((F,), dtype=jnp.float32)
    b1 = jnp.zeros((F,), dtype=jnp.float32)
    g2 = jnp.ones((F,), dtype=jnp.float32)
    b2 = jnp.zeros((F,), dtype=jnp.float32)
    return {"edge_fea": edge_fea, "angle_fea": angle_fea, "nbr_idx": nbr_idx,
            "W_lin": W_lin, "b_lin": b_lin, "W_att": W_att, "b_att": b_att,
            "g1": g1, "b1": b1, "g2": g2, "b2": b2}


def reference(edge_fea, angle_fea, nbr_idx, W_lin, b_lin, W_att, b_att, g1, b1, g2, b2):
    n, m = nbr_idx.shape
    # eij: [N, M, M, F] (broadcast of each edge feature over its M angle partners)
    eij = jnp.broadcast_to(edge_fea[:, :, None, :], (n, m, m, F))
    # eik: gather neighbor-edge features -> [N, M, M, F]
    eik = edge_fea[nbr_idx, :]
    edge_fea_cat = jnp.concatenate([eij, eik, angle_fea], axis=3)  # [N, M, M, 2F+A]
    attention_1 = edge_fea_cat @ W_att + b_att  # [N, M, M, 1]
    leaky = jnp.where(attention_1 >= 0, attention_1, 0.01 * attention_1)
    alpha_1 = jax.nn.softmax(leaky, axis=2)
    lin = edge_fea_cat @ W_lin + b_lin  # [N, M, M, F]
    x = alpha_1 * lin
    x = layer_norm(x, g1, b1)
    x = jax.nn.softplus(x)
    edge_fea_summed = edge_fea + jnp.sum(x, axis=2)
    edge_fea_summed = layer_norm(edge_fea_summed, g2, b2)
    edge_fea_summed = jax.nn.softplus(edge_fea_summed)
    return edge_fea_summed

if __name__ == "__main__":
    import jax
    _d = setup_inputs()
    print(jax.jit(kernel)(*tuple(_d.values())))

</pallas_src>

<mosaic_0001>
#map = affine_map<(d0, d1) -> (0, 0)>
#map1 = affine_map<(d0, d1) -> (0)>
module attributes {stable_mosaic.version = 14 : i64} {
  func.func @gather_kernel(%arg0: i32, %arg1: i32, %arg2: memref<16384x128xi32, #tpu.memory_space<hbm>>, %arg3: memref<131072xi32, #tpu.memory_space<hbm>>, %arg4: memref<131072x128xi32, #tpu.memory_space<hbm>>, %arg5: memref<4096xi32, #tpu.memory_space<vmem>>, %arg6: memref<128x128xi32, #tpu.memory_space<vmem>>, %arg7: memref<128x128xi32, #tpu.memory_space<vmem>>, %arg8: memref<!tpu.dma_semaphore, #tpu.memory_space<semaphore_mem>>, %arg9: memref<!tpu.dma_semaphore, #tpu.memory_space<semaphore_mem>>) attributes {dimension_semantics = [#tpu.dimension_semantics<core_parallel>, #tpu.dimension_semantics<subcore_parallel>], iteration_bounds = array<i64: 2, 16>, scalar_prefetch = 0 : i64, scratch_operands = 5 : i64, tpu.core_type = #tpu.core_type<sc_vector_subcore>, window_params = [{transform_indices = #map}, {transform_indices = #map1}, {transform_indices = #map}]} {
    %mul3A = arith.constant 2 : i32
    %mul3A_0 = arith.muli %arg1, %mul3A : i32
    %add3A = arith.addi %mul3A_0, %arg0 : i32
    %mul3A_1 = arith.constant 4096 : i32
    %mul3A_2 = arith.muli %add3A, %mul3A_1 : i32
    %multiple_of3A = tpu.assume_multiple %mul3A_2, 4096 : i32
    "tpu.region"() ({
      %run_scoped3A = tpu.sem_alloc : memref<!tpu.dma_semaphore, #tpu.memory_space<semaphore_mem>>
      %dma_start3A = tpu.memref_slice %arg3[%multiple_of3A] : memref<131072xi32, #tpu.memory_space<hbm>> -> memref<4096xi32, #tpu.memory_space<hbm>>
      %dma_start3A_8 = tpu.memref_slice %arg3[%multiple_of3A] : memref<131072xi32, #tpu.memory_space<hbm>> -> memref<4096xi32, #tpu.memory_space<hbm>>
      tpu.enqueue_dma source(%dma_start3A_8 : memref<4096xi32, #tpu.memory_space<hbm>>) target(%arg5 : memref<4096xi32, #tpu.memory_space<vmem>>) target_semaphore(%run_scoped3A : memref<!tpu.dma_semaphore, #tpu.memory_space<semaphore_mem>>)
      %dma_wait3A = tpu.memref_slice %arg3[%multiple_of3A] : memref<131072xi32, #tpu.memory_space<hbm>> -> memref<4096xi32, #tpu.memory_space<hbm>>
      %dma_wait3A_9 = tpu.memref_slice %arg3[%multiple_of3A] : memref<131072xi32, #tpu.memory_space<hbm>> -> memref<4096xi32, #tpu.memory_space<hbm>>
      tpu.wait_dma2 semaphore(%run_scoped3A : memref<!tpu.dma_semaphore, #tpu.memory_space<semaphore_mem>>) src(%dma_wait3A_9 : memref<4096xi32, #tpu.memory_space<hbm>>) dst(%arg5 : memref<4096xi32, #tpu.memory_space<vmem>>)
      tpu.yield
    }) : () -> ()
    %scan3A = arith.constant 0 : i32
    %scan3A_3 = arith.constant 0 : i32
    %scan3A_4 = arith.constant 16 : i32
    %scan3A_5 = arith.addi %scan3A_3, %scan3A_4 : i32
    %scan3A_6 = arith.constant 1 : i32
    scf.for %scan3A_8 = %scan3A_3 to %scan3A_5 step %scan3A_6  : i32 {
      %mul3A_9 = arith.constant 2 : i32
      %mul3A_10 = arith.muli %scan3A_8, %mul3A_9 : i32
      %mul3A_11 = arith.constant 128 : i32
      %mul3A_12 = arith.muli %mul3A_10, %mul3A_11 : i32
      %multiple_of3A_13 = tpu.assume_multiple %mul3A_12, 256 : i32
      %dma_start3A = tpu.memref_slice %arg5[%multiple_of3A_13] : memref<4096xi32, #tpu.memory_space<vmem>> -> memref<128xi32, #tpu.memory_space<vmem>>
      %dma_start3A_14 = arith.constant 0 : i32
      %dma_start3A_15 = arith.constant 0 : i32
      %dma_start3A_16 = tpu.memref_slice %arg2[%dma_start3A_14, %dma_start3A_15] : memref<16384x128xi32, #tpu.memory_space<hbm>> -> memref<16384x128xi32, #tpu.memory_space<hbm>>
      tpu.enqueue_indirect_dma source(%dma_start3A_16 : memref<16384x128xi32, #tpu.memory_space<hbm>>) target(%arg6 : memref<128x128xi32, #tpu.memory_space<vmem>>) offsets(%dma_start3A : memref<128xi32, #tpu.memory_space<vmem>>) semaphore(%arg8 : memref<!tpu.dma_semaphore, #tpu.memory_space<semaphore_mem>>)
      %add3A_17 = arith.constant 128 : i32
      %add3A_18 = arith.addi %multiple_of3A_13, %add3A_17 : i32
      %dma_start3A_19 = tpu.memref_slice %arg5[%add3A_18] : memref<4096xi32, #tpu.memory_space<vmem>> -> memref<128xi32, #tpu.memory_space<vmem>>
      %dma_start3A_20 = arith.constant 0 : i32
      %dma_start3A_21 = arith.constant 0 : i32
      %dma_start3A_22 = tpu.memref_slice %arg2[%dma_start3A_20, %dma_start3A_21] : memref<16384x128xi32, #tpu.memory_space<hbm>> -> memref<16384x128xi32, #tpu.memory_space<hbm>>
      tpu.enqueue_indirect_dma source(%dma_start3A_22 : memref<16384x128xi32, #tpu.memory_space<hbm>>) target(%arg7 : memref<128x128xi32, #tpu.memory_space<vmem>>) offsets(%dma_start3A_19 : memref<128xi32, #tpu.memory_space<vmem>>) semaphore(%arg9 : memref<!tpu.dma_semaphore, #tpu.memory_space<semaphore_mem>>)
      %dma_wait3A = tpu.memref_slice %arg5[%multiple_of3A_13] : memref<4096xi32, #tpu.memory_space<vmem>> -> memref<128xi32, #tpu.memory_space<vmem>>
      %dma_wait3A_23 = arith.constant 0 : i32
      %dma_wait3A_24 = arith.constant 0 : i32
      %dma_wait3A_25 = tpu.memref_slice %arg2[%dma_wait3A_23, %dma_wait3A_24] : memref<16384x128xi32, #tpu.memory_space<hbm>> -> memref<16384x128xi32, #tpu.memory_space<hbm>>
      tpu.wait_indirect_dma semaphore(%arg8 : memref<!tpu.dma_semaphore, #tpu.memory_space<semaphore_mem>>) src(%dma_wait3A_25 : memref<16384x128xi32, #tpu.memory_space<hbm>>) dst(%arg6 : memref<128x128xi32, #tpu.memory_space<vmem>>)
      %add3A_26 = arith.addi %multiple_of3A, %multiple_of3A_13 : i32
      "tpu.region"() ({
        %run_scoped3A = tpu.sem_alloc : memref<!tpu.dma_semaphore, #tpu.memory_space<semaphore_mem>>
        %dma_start3A_34 = arith.constant 0 : i32
        %dma_start3A_35 = tpu.memref_slice %arg4[%add3A_26, %dma_start3A_34] : memref<131072x128xi32, #tpu.memory_space<hbm>> -> memref<128x128xi32, #tpu.memory_space<hbm>>
        %dma_start3A_36 = arith.constant 0 : i32
        %dma_start3A_37 = tpu.memref_slice %arg4[%add3A_26, %dma_start3A_36] : memref<131072x128xi32, #tpu.memory_space<hbm>> -> memref<128x128xi32, #tpu.memory_space<hbm>>
        tpu.enqueue_dma source(%arg6 : memref<128x128xi32, #tpu.memory_space<vmem>>) target(%dma_start3A_37 : memref<128x128xi32, #tpu.memory_space<hbm>>) target_semaphore(%run_scoped3A : memref<!tpu.dma_semaphore, #tpu.memory_space<semaphore_mem>>)
        %dma_wait3A_38 = arith.constant 0 : i32
        %dma_wait3A_39 = tpu.memref_slice %arg4[%add3A_26, %dma_wait3A_38] : memref<131072x128xi32, #tpu.memory_space<hbm>> -> memref<128x128xi32, #tpu.memory_space<hbm>>
        %dma_wait3A_40 = arith.constant 0 : i32
        %dma_wait3A_41 = tpu.memref_slice %arg4[%add3A_26, %dma_wait3A_40] : memref<131072x128xi32, #tpu.memory_space<hbm>> -> memref<128x128xi32, #tpu.memory_space<hbm>>
        tpu.wait_dma2 semaphore(%run_scoped3A : memref<!tpu.dma_semaphore, #tpu.memory_space<semaphore_mem>>) src(%arg6 : memref<128x128xi32, #tpu.memory_space<vmem>>) dst(%dma_wait3A_41 : memref<128x128xi32, #tpu.memory_space<hbm>>)
        tpu.yield
      }) : () -> ()
      %dma_wait3A_27 = tpu.memref_slice %arg5[%add3A_18] : memref<4096xi32, #tpu.memory_space<vmem>> -> memref<128xi32, #tpu.memory_space<vmem>>
      %dma_wait3A_28 = arith.constant 0 : i32
      %dma_wait3A_29 = arith.constant 0 : i32
      %dma_wait3A_30 = tpu.memref_slice %arg2[%dma_wait3A_28, %dma_wait3A_29] : memref<16384x128xi32, #tpu.memory_space<hbm>> -> memref<16384x128xi32, #tpu.memory_space<hbm>>
      tpu.wait_indirect_dma semaphore(%arg9 : memref<!tpu.dma_semaphore, #tpu.memory_space<semaphore_mem>>) src(%dma_wait3A_30 : memref<16384x128xi32, #tpu.memory_space<hbm>>) dst(%arg7 : memref<128x128xi32, #tpu.memory_space<vmem>>)
      %add3A_31 = arith.addi %multiple_of3A, %multiple_of3A_13 : i32
      %add3A_32 = arith.constant 128 : i32
      %add3A_33 = arith.addi %add3A_31, %add3A_32 : i32
      "tpu.region"() ({
        %run_scoped3A = tpu.sem_alloc : memref<!tpu.dma_semaphore, #tpu.memory_space<semaphore_mem>>
        %dma_start3A_34 = arith.constant 0 : i32
        %dma_start3A_35 = tpu.memref_slice %arg4[%add3A_33, %dma_start3A_34] : memref<131072x128xi32, #tpu.memory_space<hbm>> -> memref<128x128xi32, #tpu.memory_space<hbm>>
        %dma_start3A_36 = arith.constant 0 : i32
        %dma_start3A_37 = tpu.memref_slice %arg4[%add3A_33, %dma_start3A_36] : memref<131072x128xi32, #tpu.memory_space<hbm>> -> memref<128x128xi32, #tpu.memory_space<hbm>>
        tpu.enqueue_dma source(%arg7 : memref<128x128xi32, #tpu.memory_space<vmem>>) target(%dma_start3A_37 : memref<128x128xi32, #tpu.memory_space<hbm>>) target_semaphore(%run_scoped3A : memref<!tpu.dma_semaphore, #tpu.memory_space<semaphore_mem>>)
        %dma_wait3A_38 = arith.constant 0 : i32
        %dma_wait3A_39 = tpu.memref_slice %arg4[%add3A_33, %dma_wait3A_38] : memref<131072x128xi32, #tpu.memory_space<hbm>> -> memref<128x128xi32, #tpu.memory_space<hbm>>
        %dma_wait3A_40 = arith.constant 0 : i32
        %dma_wait3A_41 = tpu.memref_slice %arg4[%add3A_33, %dma_wait3A_40] : memref<131072x128xi32, #tpu.memory_space<hbm>> -> memref<128x128xi32, #tpu.memory_space<hbm>>
        tpu.wait_dma2 semaphore(%run_scoped3A : memref<!tpu.dma_semaphore, #tpu.memory_space<semaphore_mem>>) src(%arg7 : memref<128x128xi32, #tpu.memory_space<vmem>>) dst(%dma_wait3A_41 : memref<128x128xi32, #tpu.memory_space<hbm>>)
        tpu.yield
      }) : () -> ()
    }
    %scan3A_7 = arith.constant 16 : i32
    return
  }
}

module attributes {stable_mosaic.version = 14 : i64} {
  func.func @_phase0_body(%arg0: i32, %arg1: memref<2048x8x32xf32, #tpu.memory_space<vmem>>, %arg2: memref<256x256xf32, #tpu.memory_space<vmem>>, %arg3: memref<2048x128xi32, #tpu.memory_space<vmem>>) attributes {dimension_semantics = [#tpu.dimension_semantics<arbitrary>], iteration_bounds = array<i64: 8>, scalar_prefetch = 0 : i64, scratch_operands = 0 : i64, tpu.core_type = #tpu.core_type<tc>, window_params = [{transform_indices = @transform_0, window_bounds = array<i64: 2048, 8, 32>}, {pipeline_mode = #tpu.pipeline_mode<synchronous>, transform_indices = @transform_1, window_bounds = array<i64: 256, 256>}, {transform_indices = @transform_2, window_bounds = array<i64: 2048, 128>}]} {
    %get3A = arith.constant 0 : index
    %get3A_0 = arith.constant 0 : index
    %get3A_1 = arith.constant 0 : index
    %get3A_2 = vector.load %arg1[%get3A, %get3A_0, %get3A_1] : memref<2048x8x32xf32, #tpu.memory_space<vmem>>, vector<2048x8x32xf32>
    %reshape3A = vector.shape_cast %get3A_2 : vector<2048x8x32xf32> to vector<2048x256xf32>
    %get3A_3 = arith.constant 0 : index
    %get3A_4 = arith.constant 0 : index
    %get3A_5 = vector.load %arg2[%get3A_3, %get3A_4] : memref<256x256xf32, #tpu.memory_space<vmem>>, vector<256x256xf32>
    %dot_general3A = arith.constant dense<0.000000e+00> : vector<2048x256xf32>
    %dot_general3A_6 = tpu.matmul %reshape3A, %get3A_5, %dot_general3A {dimension_numbers = #tpu.dot_dimension_numbers<[1], [0], [0], [1], [0, 0, 1, 1], [], []>, transpose_lhs_hint = false} : vector<2048x256xf32>, vector<256x256xf32>, vector<2048x256xf32> -> vector<2048x256xf32>
    %slice3A = vector.extract_strided_slice %dot_general3A_6 {offsets = [0, 0], sizes = [2048, 128], strides = [1, 1]} : vector<2048x256xf32> to vector<2048x128xf32>
    %convert_element_type3A = arith.truncf %slice3A : vector<2048x128xf32> to vector<2048x128xbf16>
    %bitcast_convert_type3A = tpu.bitcast %convert_element_type3A : vector<2048x128xbf16> -> vector<2048x128xi16>
    %convert_element_type3A_7 = arith.extui %bitcast_convert_type3A : vector<2048x128xi16> to vector<2048x128xi32>
    %slice3A_8 = vector.extract_strided_slice %dot_general3A_6 {offsets = [0, 128], sizes = [2048, 128], strides = [1, 1]} : vector<2048x256xf32> to vector<2048x128xf32>
    %convert_element_type3A_9 = arith.truncf %slice3A_8 : vector<2048x128xf32> to vector<2048x128xbf16>
    %bitcast_convert_type3A_10 = tpu.bitcast %convert_element_type3A_9 : vector<2048x128xbf16> -> vector<2048x128xi16>
    %convert_element_type3A_11 = arith.extui %bitcast_convert_type3A_10 : vector<2048x128xi16> to vector<2048x128xi32>
    %shift_left3A = arith.constant 16 : i32
    %shift_left3A_12 = vector.broadcast %shift_left3A : i32 to vector<2048x128xi32>
    %shift_left3A_13 = arith.shli %convert_element_type3A_11, %shift_left3A_12 : vector<2048x128xi32>
    %or3A = arith.ori %convert_element_type3A_7, %shift_left3A_13 : vector<2048x128xi32>
    %bitcast_convert_type3A_14 = tpu.bitcast %or3A : vector<2048x128xi32> -> vector<2048x128xi32>
    %swap3A = arith.constant 0 : index
    %swap3A_15 = arith.constant 0 : index
    %swap3A_16 = vector.load %arg3[%swap3A, %swap3A_15] : memref<2048x128xi32, #tpu.memory_space<vmem>>, vector<2048x128xi32>
    tpu.vector_store %arg3[%swap3A, %swap3A_15], %bitcast_convert_type3A_14 {strides = array<i32>} : memref<2048x128xi32, #tpu.memory_space<vmem>>, vector<2048x128xi32>,
    return
  }
  func.func @transform_0(%arg0: i32) -> (i32, i32, i32) {
    %c0_i32 = arith.constant 0 : i32
    %c0_i32_0 = arith.constant 0 : i32
    %c0_i32_1 = arith.constant 0 : i32
    return %arg0, %c0_i32, %c0_i32_0 : i32, i32, i32
  }
  func.func @transform_1(%arg0: i32) -> (i32, i32) {
    %c0_i32 = arith.constant 0 : i32
    %c0_i32_0 = arith.constant 0 : i32
    %c0_i32_1 = arith.constant 0 : i32
    return %c0_i32, %c0_i32_0 : i32, i32
  }
  func.func @transform_2(%arg0: i32) -> (i32, i32) {
    %c0_i32 = arith.constant 0 : i32
    %c0_i32_0 = arith.constant 0 : i32
    return %arg0, %c0_i32 : i32, i32
  }
}

module attributes {stable_mosaic.version = 14 : i64} {
  func.func @_main_body(%arg0: i32, %arg1: memref<4096x32xf32, #tpu.memory_space<vmem>>, %arg2: memref<4096x128xi32, #tpu.memory_space<vmem>>, %arg3: memref<512x8x128xf32, #tpu.memory_space<vmem>>, %arg4: memref<32x264xf32, #tpu.memory_space<vmem>>, %arg5: memref<128x264xf32, #tpu.memory_space<vmem>>, %arg6: memref<256x8xf32, #tpu.memory_space<vmem>>, %arg7: memref<16x256xf32, #tpu.memory_space<vmem>>, %arg8: memref<256x32xf32, #tpu.memory_space<vmem>>, %arg9: memref<256x8xf32, #tpu.memory_space<vmem>>, %arg10: memref<4x256xf32, #tpu.memory_space<vmem>>, %arg11: memref<4096x32xf32, #tpu.memory_space<vmem>>) attributes {dimension_semantics = [#tpu.dimension_semantics<arbitrary>], iteration_bounds = array<i64: 32>, scalar_prefetch = 0 : i64, scratch_operands = 0 : i64, tpu.core_type = #tpu.core_type<tc>, window_params = [{transform_indices = @transform_0, window_bounds = array<i64: 4096, 32>}, {transform_indices = @transform_1, window_bounds = array<i64: 4096, 128>}, {transform_indices = @transform_2, window_bounds = array<i64: 512, 8, 128>}, {pipeline_mode = #tpu.pipeline_mode<synchronous>, transform_indices = @transform_3, window_bounds = array<i64: 32, 264>}, {pipeline_mode = #tpu.pipeline_mode<synchronous>, transform_indices = @transform_4, window_bounds = array<i64: 128, 264>}, {pipeline_mode = #tpu.pipeline_mode<synchronous>, transform_indices = @transform_5, window_bounds = array<i64: 256, 8>}, {pipeline_mode = #tpu.pipeline_mode<synchronous>, transform_indices = @transform_6, window_bounds = array<i64: 16, 256>}, {pipeline_mode = #tpu.pipeline_mode<synchronous>, transform_indices = @transform_7, window_bounds = array<i64: 256, 32>}, {pipeline_mode = #tpu.pipeline_mode<synchronous>, transform_indices = @transform_8, window_bounds = array<i64: 256, 8>}, {pipeline_mode = #tpu.pipeline_mode<synchronous>, transform_indices = @transform_9, window_bounds = array<i64: 4, 256>}, {transform_indices = @transform_10, window_bounds = array<i64: 4096, 32>}]} {
    %get3A = arith.constant 0 : index
    %get3A_0 = arith.constant 0 : index
    %get3A_1 = vector.load %arg1[%get3A, %get3A_0] : memref<4096x32xf32, #tpu.memory_space<vmem>>, vector<4096x32xf32>
    %get3A_2 = arith.constant 0 : index
    %get3A_3 = arith.constant 0 : index
    %get3A_4 = vector.load %arg2[%get3A_2, %get3A_3] : memref<4096x128xi32, #tpu.memory_space<vmem>>, vector<4096x128xi32>
    %bitcast_convert_type3A = tpu.bitcast %get3A_4 : vector<4096x128xi32> -> vector<4096x128xi32>
    %shift_left3A = arith.constant 16 : i32
    %shift_left3A_5 = vector.broadcast %shift_left3A : i32 to vector<4096x128xi32>
    %shift_left3A_6 = arith.shli %bitcast_convert_type3A, %shift_left3A_5 : vector<4096x128xi32>
    %bitcast_convert_type3A_7 = tpu.bitcast %shift_left3A_6 : vector<4096x128xi32> -> vector<4096x128xf32>
    %and3A = arith.constant -65536 : i32
    %and3A_8 = vector.broadcast %and3A : i32 to vector<4096x128xi32>
    %and3A_9 = arith.andi %bitcast_convert_type3A, %and3A_8 : vector<4096x128xi32>
    %bitcast_convert_type3A_10 = tpu.bitcast %and3A_9 : vector<4096x128xi32> -> vector<4096x128xf32>
    %concatenate3A = tpu.concatenate %bitcast_convert_type3A_7, %bitcast_convert_type3A_10 in 1 : vector<4096x128xf32>, vector<4096x128xf32> -> vector<4096x256xf32>
    %get3A_11 = arith.constant 0 : index
    %get3A_12 = arith.constant 0 : index
    %get3A_13 = vector.load %arg10[%get3A_11, %get3A_12] : memref<4x256xf32, #tpu.memory_space<vmem>>, vector<4x256xf32>
    %slice3A = vector.extract_strided_slice %get3A_13 {offsets = [0, 0], sizes = [1, 256], strides = [1, 1]} : vector<4x256xf32> to vector<1x256xf32>
    %slice3A_14 = vector.extract_strided_slice %get3A_13 {offsets = [2, 0], sizes = [1, 256], strides = [1, 1]} : vector<4x256xf32> to vector<1x256xf32>
    %slice3A_15 = vector.extract_strided_slice %get3A_13 {offsets = [3, 0], sizes = [1, 32], strides = [1, 1]} : vector<4x256xf32> to vector<1x32xf32>
    %slice3A_16 = vector.extract_strided_slice %get3A_13 {offsets = [3, 32], sizes = [1, 32], strides = [1, 1]} : vector<4x256xf32> to vector<1x32xf32>
    %slice3A_17 = vector.extract_strided_slice %get3A_13 {offsets = [3, 64], sizes = [1, 1], strides = [1, 1]} : vector<4x256xf32> to vector<1x1xf32>
    %get3A_18 = arith.constant 0 : index
    %get3A_19 = arith.constant 0 : index
    %get3A_20 = arith.constant 0 : index
    %get3A_21 = vector.load %arg3[%get3A_18, %get3A_19, %get3A_20] : memref<512x8x128xf32, #tpu.memory_space<vmem>>, vector<512x8x128xf32>
    %reshape3A = vector.shape_cast %get3A_21 : vector<512x8x128xf32> to vector<4096x128xf32>
    %get3A_22 = arith.constant 0 : index
    %get3A_23 = arith.constant 0 : index
    %get3A_24 = vector.load %arg4[%get3A_22, %get3A_23] : memref<32x264xf32, #tpu.memory_space<vmem>>, vector<32x264xf32>
    %dot_general3A = arith.constant dense<0.000000e+00> : vector<4096x264xf32>
    %dot_general3A_25 = tpu.matmul %get3A_1, %get3A_24, %dot_general3A {dimension_numbers = #tpu.dot_dimension_numbers<[1], [0], [0], [1], [0, 0, 1, 1], [], []>, transpose_lhs_hint = false} : vector<4096x32xf32>, vector<32x264xf32>, vector<4096x264xf32> -> vector<4096x264xf32>
    %get3A_26 = arith.constant 0 : index
    %get3A_27 = arith.constant 0 : index
    %get3A_28 = vector.load %arg5[%get3A_26, %get3A_27] : memref<128x264xf32, #tpu.memory_space<vmem>>, vector<128x264xf32>
    %dot_general3A_29 = arith.constant dense<0.000000e+00> : vector<4096x264xf32>
    %dot_general3A_30 = tpu.matmul %reshape3A, %get3A_28, %dot_general3A_29 {dimension_numbers = #tpu.dot_dimension_numbers<[1], [0], [0], [1], [0, 0, 1, 1], [], []>, transpose_lhs_hint = false} : vector<4096x128xf32>, vector<128x264xf32>, vector<4096x264xf32> -> vector<4096x264xf32>
    %add3A = arith.addf %dot_general3A_25, %dot_general3A_30 : vector<4096x264xf32>
    %slice3A_31 = vector.extract_strided_slice %add3A {offsets = [0, 0], sizes = [4096, 256], strides = [1, 1]} : vector<4096x264xf32> to vector<4096x256xf32>
    %add3A_32 = arith.addf %concatenate3A, %slice3A_31 : vector<4096x256xf32>
    %add3A_33 = vector.broadcast %slice3A : vector<1x256xf32> to vector<4096x256xf32>
    %add3A_34 = arith.addf %add3A_32, %add3A_33 : vector<4096x256xf32>
    %slice3A_35 = vector.extract_strided_slice %add3A {offsets = [0, 256], sizes = [4096, 8], strides = [1, 1]} : vector<4096x264xf32> to vector<4096x8xf32>
    %add3A_36 = vector.broadcast %slice3A_17 : vector<1x1xf32> to vector<4096x8xf32>
    %add3A_37 = arith.addf %slice3A_35, %add3A_36 : vector<4096x8xf32>
    %get3A_38 = arith.constant 0 : index
    %get3A_39 = arith.constant 0 : index
    %get3A_40 = vector.load %arg9[%get3A_38, %get3A_39] : memref<256x8xf32, #tpu.memory_space<vmem>>, vector<256x8xf32>
    %dot_general3A_41 = arith.constant dense<0.000000e+00> : vector<4096x8xf32>
    %dot_general3A_42 = tpu.matmul %concatenate3A, %get3A_40, %dot_general3A_41 {dimension_numbers = #tpu.dot_dimension_numbers<[1], [0], [0], [1], [0, 0, 1, 1], [], []>, transpose_lhs_hint = false} : vector<4096x256xf32>, vector<256x8xf32>, vector<4096x8xf32> -> vector<4096x8xf32>
    %add3A_43 = arith.addf %add3A_37, %dot_general3A_42 : vector<4096x8xf32>
    %ge3A = arith.constant 0.000000e+00 : f32
    %ge3A_44 = vector.broadcast %ge3A : f32 to vector<4096x8xf32>
    %ge3A_45 = arith.cmpf oge, %add3A_43, %ge3A_44 : vector<4096x8xf32>
    %mul3A = arith.constant 0.00999999977 : f32
    %mul3A_46 = vector.broadcast %mul3A : f32 to vector<4096x8xf32>
    %mul3A_47 = arith.mulf %mul3A_46, %add3A_43 : vector<4096x8xf32>
    %select_n3A = arith.select %ge3A_45, %add3A_43, %mul3A_47 : vector<4096x8xi1>, vector<4096x8xf32>
    %exp3A = math.exp %select_n3A : vector<4096x8xf32>
    %reduce_sum3A = arith.constant dense<0.000000e+00> : vector<4096xf32>
    %reduce_sum3A_48 = vector.multi_reduction <add>, %exp3A, %reduce_sum3A [1] : vector<4096x8xf32> to vector<4096xf32>
    %broadcast_in_dim3A = vector.shape_cast %reduce_sum3A_48 : vector<4096xf32> to vector<4096x1xf32>
    %div3A = vector.broadcast %broadcast_in_dim3A : vector<4096x1xf32> to vector<4096x8xf32>
    %div3A_49 = arith.divf %exp3A, %div3A : vector<4096x8xf32>
    %get3A_50 = arith.constant 0 : index
    %get3A_51 = arith.constant 0 : index
    %get3A_52 = vector.load %arg7[%get3A_50, %get3A_51] : memref<16x256xf32, #tpu.memory_space<vmem>>, vector<16x256xf32>
    %slice3A_53 = vector.extract_strided_slice %get3A_52 {offsets = [8, 0], sizes = [8, 256], strides = [1, 1]} : vector<16x256xf32> to vector<8x256xf32>
    %dot_general3A_54 = arith.constant dense<0.000000e+00> : vector<4096x256xf32>
    %dot_general3A_55 = tpu.matmul %div3A_49, %slice3A_53, %dot_general3A_54 {dimension_numbers = #tpu.dot_dimension_numbers<[1], [0], [0], [1], [0, 0, 1, 1], [], []>, transpose_lhs_hint = false} : vector<4096x8xf32>, vector<8x256xf32>, vector<4096x256xf32> -> vector<4096x256xf32>
    %mul3A_56 = arith.mulf %dot_general3A_55, %add3A_34 : vector<4096x256xf32>
    %get3A_57 = arith.constant 0 : index
    %get3A_58 = arith.constant 0 : index
    %get3A_59 = vector.load %arg6[%get3A_57, %get3A_58] : memref<256x8xf32, #tpu.memory_space<vmem>>, vector<256x8xf32>
    %dot_general3A_60 = arith.constant dense<0.000000e+00> : vector<4096x8xf32>
    %dot_general3A_61 = tpu.matmul %mul3A_56, %get3A_59, %dot_general3A_60 {dimension_numbers = #tpu.dot_dimension_numbers<[1], [0], [0], [1], [0, 0, 1, 1], [], []>, transpose_lhs_hint = false} : vector<4096x256xf32>, vector<256x8xf32>, vector<4096x8xf32> -> vector<4096x8xf32>
    %mul3A_62 = arith.constant 3.125000e-02 : f32
    %mul3A_63 = vector.broadcast %mul3A_62 : f32 to vector<4096x8xf32>
    %mul3A_64 = arith.mulf %dot_general3A_61, %mul3A_63 : vector<4096x8xf32>
    %mul3A_65 = arith.mulf %mul3A_56, %mul3A_56 : vector<4096x256xf32>
    %dot_general3A_66 = arith.constant dense<0.000000e+00> : vector<4096x8xf32>
    %dot_general3A_67 = tpu.matmul %mul3A_65, %get3A_59, %dot_general3A_66 {dimension_numbers = #tpu.dot_dimension_numbers<[1], [0], [0], [1], [0, 0, 1, 1], [], []>, transpose_lhs_hint = false} : vector<4096x256xf32>, vector<256x8xf32>, vector<4096x8xf32> -> vector<4096x8xf32>
    %mul3A_68 = arith.constant 3.125000e-02 : f32
    %mul3A_69 = vector.broadcast %mul3A_68 : f32 to vector<4096x8xf32>
    %mul3A_70 = arith.mulf %dot_general3A_67, %mul3A_69 : vector<4096x8xf32>
    %mul3A_71 = arith.mulf %mul3A_64, %mul3A_64 : vector<4096x8xf32>
    %sub3A = arith.subf %mul3A_70, %mul3A_71 : vector<4096x8xf32>
    %add3A_72 = arith.constant 9.99999974E-6 : f32
    %add3A_73 = vector.broadcast %add3A_72 : f32 to vector<4096x8xf32>
    %add3A_74 = arith.addf %sub3A, %add3A_73 : vector<4096x8xf32>
    %rsqrt3A = math.rsqrt %add3A_74 : vector<4096x8xf32>
    %slice3A_75 = vector.extract_strided_slice %get3A_52 {offsets = [0, 0], sizes = [8, 256], strides = [1, 1]} : vector<16x256xf32> to vector<8x256xf32>
    %dot_general3A_76 = arith.constant dense<0.000000e+00> : vector<4096x256xf32>
    %dot_general3A_77 = tpu.matmul %rsqrt3A, %slice3A_75, %dot_general3A_76 {dimension_numbers = #tpu.dot_dimension_numbers<[1], [0], [0], [1], [0, 0, 1, 1], [], []>, transpose_lhs_hint = false} : vector<4096x8xf32>, vector<8x256xf32>, vector<4096x256xf32> -> vector<4096x256xf32>
    %mul3A_78 = arith.mulf %mul3A_64, %rsqrt3A : vector<4096x8xf32>
    %slice3A_79 = vector.extract_strided_slice %get3A_52 {offsets = [0, 0], sizes = [8, 256], strides = [1, 1]} : vector<16x256xf32> to vector<8x256xf32>
    %dot_general3A_80 = arith.constant dense<0.000000e+00> : vector<4096x256xf32>
    %dot_general3A_81 = tpu.matmul %mul3A_78, %slice3A_79, %dot_general3A_80 {dimension_numbers = #tpu.dot_dimension_numbers<[1], [0], [0], [1], [0, 0, 1, 1], [], []>, transpose_lhs_hint = false} : vector<4096x8xf32>, vector<8x256xf32>, vector<4096x256xf32> -> vector<4096x256xf32>
    %sub3A_82 = vector.broadcast %slice3A_14 : vector<1x256xf32> to vector<4096x256xf32>
    %sub3A_83 = arith.subf %sub3A_82, %dot_general3A_81 : vector<4096x256xf32>
    %mul3A_84 = arith.mulf %mul3A_56, %dot_general3A_77 : vector<4096x256xf32>
    %add3A_85 = arith.addf %mul3A_84, %sub3A_83 : vector<4096x256xf32>
    %exp3A_86 = math.exp %add3A_85 : vector<4096x256xf32>
    %log1p3A = math.log1p %exp3A_86 : vector<4096x256xf32>
    %get3A_87 = arith.constant 0 : index
    %get3A_88 = arith.constant 0 : index
    %get3A_89 = vector.load %arg8[%get3A_87, %get3A_88] : memref<256x32xf32, #tpu.memory_space<vmem>>, vector<256x32xf32>
    %dot_general3A_90 = arith.constant dense<0.000000e+00> : vector<4096x32xf32>
    %dot_general3A_91 = tpu.matmul %log1p3A, %get3A_89, %dot_general3A_90 {dimension_numbers = #tpu.dot_dimension_numbers<[1], [0], [0], [1], [0, 0, 1, 1], [], []>, transpose_lhs_hint = false} : vector<4096x256xf32>, vector<256x32xf32>, vector<4096x32xf32> -> vector<4096x32xf32>
    %add3A_92 = arith.addf %get3A_1, %dot_general3A_91 : vector<4096x32xf32>
    %reduce_sum3A_93 = arith.constant dense<0.000000e+00> : vector<4096xf32>
    %reduce_sum3A_94 = vector.multi_reduction <add>, %add3A_92, %reduce_sum3A_93 [1] : vector<4096x32xf32> to vector<4096xf32>
    %broadcast_in_dim3A_95 = vector.shape_cast %reduce_sum3A_94 : vector<4096xf32> to vector<4096x1xf32>
    %div3A_96 = arith.constant 3.200000e+01 : f32
    %div3A_97 = vector.broadcast %div3A_96 : f32 to vector<4096x1xf32>
    %div3A_98 = arith.divf %broadcast_in_dim3A_95, %div3A_97 : vector<4096x1xf32>
    %sub3A_99 = vector.broadcast %div3A_98 : vector<4096x1xf32> to vector<4096x32xf32>
    %sub3A_100 = arith.subf %add3A_92, %sub3A_99 : vector<4096x32xf32>
    %mul3A_101 = arith.mulf %sub3A_100, %sub3A_100 : vector<4096x32xf32>
    %reduce_sum3A_102 = arith.constant dense<0.000000e+00> : vector<4096xf32>
    %reduce_sum3A_103 = vector.multi_reduction <add>, %mul3A_101, %reduce_sum3A_102 [1] : vector<4096x32xf32> to vector<4096xf32>
    %broadcast_in_dim3A_104 = vector.shape_cast %reduce_sum3A_103 : vector<4096xf32> to vector<4096x1xf32>
    %div3A_105 = arith.constant 3.200000e+01 : f32
    %div3A_106 = vector.broadcast %div3A_105 : f32 to vector<4096x1xf32>
    %div3A_107 = arith.divf %broadcast_in_dim3A_104, %div3A_106 : vector<4096x1xf32>
    %add3A_108 = arith.constant 9.99999974E-6 : f32
    %add3A_109 = vector.broadcast %add3A_108 : f32 to vector<4096x1xf32>
    %add3A_110 = arith.addf %div3A_107, %add3A_109 : vector<4096x1xf32>
    %rsqrt3A_111 = math.rsqrt %add3A_110 : vector<4096x1xf32>
    %mul3A_112 = vector.broadcast %rsqrt3A_111 : vector<4096x1xf32> to vector<4096x32xf32>
    %mul3A_113 = arith.mulf %sub3A_100, %mul3A_112 : vector<4096x32xf32>
    %mul3A_114 = vector.broadcast %slice3A_15 : vector<1x32xf32> to vector<4096x32xf32>
    %mul3A_115 = arith.mulf %mul3A_113, %mul3A_114 : vector<4096x32xf32>
    %add3A_116 = vector.broadcast %slice3A_16 : vector<1x32xf32> to vector<4096x32xf32>
    %add3A_117 = arith.addf %mul3A_115, %add3A_116 : vector<4096x32xf32>
    %exp3A_118 = math.exp %add3A_117 : vector<4096x32xf32>
    %log1p3A_119 = math.log1p %exp3A_118 : vector<4096x32xf32>
    %swap3A = arith.constant 0 : index
    %swap3A_120 = arith.constant 0 : index
    %swap3A_121 = vector.load %arg11[%swap3A, %swap3A_120] : memref<4096x32xf32, #tpu.memory_space<vmem>>, vector<4096x32xf32>
    tpu.vector_store %arg11[%swap3A, %swap3A_120], %log1p3A_119 {strides = array<i32>} : memref<4096x32xf32, #tpu.memory_space<vmem>>, vector<4096x32xf32>,
    return
  }
  func.func @transform_0(%arg0: i32) -> (i32, i32) {
    %c0_i32 = arith.constant 0 : i32
    %c0_i32_0 = arith.constant 0 : i32
    return %arg0, %c0_i32 : i32, i32
  }
  func.func @transform_1(%arg0: i32) -> (i32, i32) {
    %c0_i32 = arith.constant 0 : i32
    %c0_i32_0 = arith.constant 0 : i32
    return %arg0, %c0_i32 : i32, i32
  }
  func.func @transform_2(%arg0: i32) -> (i32, i32, i32) {
    %c0_i32 = arith.constant 0 : i32
    %c0_i32_0 = arith.constant 0 : i32
    %c0_i32_1 = arith.constant 0 : i32
    return %arg0, %c0_i32, %c0_i32_0 : i32, i32, i32
  }
  func.func @transform_3(%arg0: i32) -> (i32, i32) {
    %c0_i32 = arith.constant 0 : i32
    %c0_i32_0 = arith.constant 0 : i32
    %c0_i32_1 = arith.constant 0 : i32
    return %c0_i32, %c0_i32_0 : i32, i32
  }
  func.func @transform_4(%arg0: i32) -> (i32, i32) {
    %c0_i32 = arith.constant 0 : i32
    %c0_i32_0 = arith.constant 0 : i32
    %c0_i32_1 = arith.constant 0 : i32
    return %c0_i32, %c0_i32_0 : i32, i32
  }
  func.func @transform_5(%arg0: i32) -> (i32, i32) {
    %c0_i32 = arith.constant 0 : i32
    %c0_i32_0 = arith.constant 0 : i32
    %c0_i32_1 = arith.constant 0 : i32
    return %c0_i32, %c0_i32_0 : i32, i32
  }
  func.func @transform_6(%arg0: i32) -> (i32, i32) {
    %c0_i32 = arith.constant 0 : i32
    %c0_i32_0 = arith.constant 0 : i32
    %c0_i32_1 = arith.constant 0 : i32
    return %c0_i32, %c0_i32_0 : i32, i32
  }
  func.func @transform_7(%arg0: i32) -> (i32, i32) {
    %c0_i32 = arith.constant 0 : i32
    %c0_i32_0 = arith.constant 0 : i32
    %c0_i32_1 = arith.constant 0 : i32
    return %c0_i32, %c0_i32_0 : i32, i32
  }
  func.func @transform_8(%arg0: i32) -> (i32, i32) {
    %c0_i32 = arith.constant 0 : i32
    %c0_i32_0 = arith.constant 0 : i32
    %c0_i32_1 = arith.constant 0 : i32
    return %c0_i32, %c0_i32_0 : i32, i32
  }
  func.func @transform_9(%arg0: i32) -> (i32, i32) {
    %c0_i32 = arith.constant 0 : i32
    %c0_i32_0 = arith.constant 0 : i32
    %c0_i32_1 = arith.constant 0 : i32
    return %c0_i32, %c0_i32_0 : i32, i32
  }
  func.func @transform_10(%arg0: i32) -> (i32, i32) {
    %c0_i32 = arith.constant 0 : i32
    %c0_i32_0 = arith.constant 0 : i32
    return %arg0, %c0_i32 : i32, i32
  }
}

</mosaic_0001>

<sc_bundles>
// kernel: kernel.5.cloned.1.call-start
scs
__scs_entry_jumppad:
0x0: {  	(pc) =	sbr.rel $0x88, $3  }
0x1: {  	(tag) =	ssettag $0x0;
	lr =	simm.s32 $0x1  }
0x2: {  	[smem:$0x3F96] =	sst lr;
	_ =	strace $0xD0000000  }
0x3: {  	_ = 	snop  }
0x4: {  	_ = 	snop  }
0x5: {  	_ = 	snop  }
0x6: {  	_ = 	snop  }
0x7: {  	_ = 	snop  }
__scs_overlays_trampoline_lowered:
0x8: {  	[smem:$0x3FA5] =	sst s0  }
0x9: {  	[smem:$0x3FA6] =	sst s1  }
0xa: {  	[smem:$0x3FA7] =	sst s2  }
0xb: {  	[smem:$0x3FA8] =	sst s3  }
0xc: {  	[smem:$0x3FA9] =	sst s4  }
0xd: {  	[smem:$0x3FAA] =	sst s5  }
0xe: {  	[smem:$0x3FAB] =	sst s6  }
0xf: {  	[smem:$0x3FAC] =	sst s7  }
0x10: {  	[smem:$0x3FAD] =	sst s8  }
0x11: {  	[smem:$0x3FAE] =	sst s9;
	s0 =	simm.s32 @!p0 $0x0  }
0x12: {  	s1 =	sld [smem:$0x3F94];
	s0 =	simm.s32 @p0 $0x1  }
0x13: {  	[smem:$0x3FAF] =	sst s0;
	s0 =	simm.s32 @!p1 $0x0  }
0x14: {  	s2 =	sld [smem:$0x3F93];
	s0 =	simm.s32 @p1 $0x1  }
0x15: {  	[smem:$0x3FB0] =	sst s0;
	s0 =	simm.s32 @!p2 $0x0  }
0x16: {  	s3 =	sld [smem:$0x3FDB];
	s0 =	simm.s32 @p2 $0x1  }
0x17: {  	s4 =	simm.s32 $0x1BF5;
	[smem:$0x3FB2] =	sst s0  }
0x18: {  	s0 =	sld [smem:$0x3F95];
	_ =	swait.ge [sflag:s4], $0x0  }
0x19: {  	s7 =	sld [smem:$0x3F96]  }
0x1a: {  	s8 =	sadd.s32 $0xFFFFE003, lr  }
0x1b: {  	s9 =	sadd.s32 $0xFFFFFEF7, lr;
	s5 =	simm.s32 $0xFFFFFFFF;
	p2 =	slt.u32 s8, $0xFFFFF086  }
0x1c: {  	p1 =	slt.u32 s9, $0xF7A;
	s5 =	simm.s32 @!p2 $0x0  }
0x1d: {  	s5 =	simm.s32 @p1 $0x1;
	p0 =	seq.s32 s7, s2  }
0x1e: {  	s7 =	smul.u32 @!p0 $0xF7A, s2;
	p2 =	seq.s32 @!p0 s5, $0x0  }
0x1f: {  	s9 =	smul.u32 $0xF7A, s1;
	s8 =	simm.s32 @!p0 $0x1BF5;
	p2 =	por !p2, p0  }
0x20: {  	[sflag:s8] =	ssyncset.s32 @!p0 $0xFFFFF086;
	s6 =	sadd.s32 @!p0 s3, s7;
	s7 =	simm.s32 @!p0 $0x108  }
0x21: {  	s3 =	sadd.s32 s3, s9;
	s6 =	sadd.s32 @!p0 $0x88, s6;
	s7 =	simm.s32 @p2 $0x1082  }
0x22: {  	[simem:s7], [sflag:s8] =	dma.local @!p0 [hbm:s6], $0xF7A  }
0x23: {  	s9 =	sor.u32 $0xD0000000, s2;
	s6 =	simm.s32 $0x108;
	_ =	swait.ge @!p0 [sflag:s8], $0x0  }
0x24: {  	s3 =	sadd.s32 $0x88, s3;
	s6 =	simm.s32 @!p1 $0x1082;
	[sflag:s4] =	ssyncset.s32 $0xFFFFF086  }
0x25: {  	[simem:s6], [sflag:s4] =	dma.local [hbm:s3], $0xF7A  }
0x26: {  	[smem:$0x3F96] =	sst s1;
	(tag) =	ssettag s2;
	_ =	strace s9  }
0x27: {  	s1 =	sld [smem:$0x3FA6]  }
0x28: {  	s2 =	sld [smem:$0x3FA7]  }
0x29: {  	s4 =	sld [smem:$0x3FA9]  }
0x2a: {  	p0 =	seq.s32 s5, $0x0;
	s5 =	sld [smem:$0x3FAA]  }
0x2b: {  	s6 =	sld [smem:$0x3FAB]  }
0x2c: {  	s7 =	sld [smem:$0x3FAC]  }
0x2d: {  	s3 =	simm.s32 $0x108;
	s8 =	sld [smem:$0x3FAD]  }
0x2e: {  	s3 =	simm.s32 @!p0 $0x1082;
	s9 =	sld [smem:$0x3FAE]  }
0x2f: {  	lr =	sadd.s32 s0, s3;
	s0 =	sld [smem:$0x3FA5]  }
0x30: {  	s3 =	sld [smem:$0x3FA8]  }
0x31: {  	[smem:$0x3FB1] =	sst s10  }
0x32: {  	s10 =	sld [smem:$0x3FAF];
	_ =	sdelay $0x3  }
0x33: {  	p0 =	seq.s32 s10, $0x1;
	s10 =	sld [smem:$0x3FB1];
	_ =	sdelay $0x3  }
0x34: {  	[smem:$0x3FB1] =	sst s10  }
0x35: {  	s10 =	sld [smem:$0x3FB0];
	_ =	sdelay $0x3  }
0x36: {  	p1 =	seq.s32 s10, $0x1;
	s10 =	sld [smem:$0x3FB1];
	_ =	sdelay $0x3  }
0x37: {  	[smem:$0x3FB1] =	sst s10  }
0x38: {  	s10 =	sld [smem:$0x3FB2]  }
0x39: {  	_ = 	snop;
	(pc) =	sbr.ind lr, $3  }
0x3a: {  	_ = 	snop  }
0x3b: {  	_ = 	snop  }
0x3c: {  	p2 =	seq.s32 s10, $0x1;
	s10 =	sld [smem:$0x3FB1]  }
0x3d: {  	_ =	shalt  }
0x3e: {  	_ =	shalt  }
0x3f: {  	_ =	shalt  }
0x40: {  	_ =	shalt  }
0x41: {  	_ =	shalt  }
0x42: {  	_ =	shalt  }
0x43: {  	_ =	shalt  }
0x44: {  	_ =	shalt  }
0x45: {  	_ =	shalt  }
0x46: {  	_ =	shalt  }
0x47: {  	_ =	shalt  }
0x48: {  	_ =	shalt  }
0x49: {  	_ =	shalt  }
0x4a: {  	_ =	shalt  }
0x4b: {  	_ =	shalt  }
0x4c: {  	_ =	shalt  }
0x4d: {  	_ =	shalt  }
0x4e: {  	_ =	shalt  }
0x4f: {  	_ =	shalt  }
0x50: {  	_ =	shalt  }
0x51: {  	_ =	shalt  }
0x52: {  	_ =	shalt  }
0x53: {  	_ =	shalt  }
0x54: {  	_ =	shalt  }
0x55: {  	_ =	shalt  }
0x56: {  	_ =	shalt  }
0x57: {  	_ =	shalt  }
0x58: {  	_ =	shalt  }
0x59: {  	_ =	shalt  }
0x5a: {  	_ =	shalt  }
0x5b: {  	_ =	shalt  }
0x5c: {  	_ =	shalt  }
0x5d: {  	_ =	shalt  }
0x5e: {  	_ =	shalt  }
0x5f: {  	_ =	shalt  }
0x60: {  	_ =	shalt  }
0x61: {  	_ =	shalt  }
0x62: {  	_ =	shalt  }
0x63: {  	_ =	shalt  }
0x64: {  	_ =	shalt  }
0x65: {  	_ =	shalt  }
0x66: {  	_ =	shalt  }
0x67: {  	_ =	shalt  }
0x68: {  	_ =	shalt  }
0x69: {  	_ =	shalt  }
0x6a: {  	_ =	shalt  }
0x6b: {  	_ =	shalt  }
0x6c: {  	_ =	shalt  }
0x6d: {  	_ =	shalt  }
0x6e: {  	_ =	shalt  }
0x6f: {  	_ =	shalt  }
0x70: {  	_ =	shalt  }
0x71: {  	_ =	shalt  }
0x72: {  	_ =	shalt  }
0x73: {  	_ =	shalt  }
0x74: {  	_ =	shalt  }
0x75: {  	_ =	shalt  }
0x76: {  	_ =	shalt  }
0x77: {  	_ =	shalt  }
0x78: {  	_ =	shalt  }
0x79: {  	_ =	shalt  }
0x7a: {  	_ =	shalt  }
0x7b: {  	_ =	shalt  }
0x7c: {  	_ =	shalt  }
0x7d: {  	_ =	shalt  }
0x7e: {  	_ =	shalt  }
0x7f: {  	_ =	shalt  }
0x80: {  	_ =	shalt  }
0x81: {  	_ =	shalt  }
0x82: {  	_ =	shalt  }
0x83: {  	_ =	shalt  }
0x84: {  	_ =	shalt  }
0x85: {  	_ =	shalt  }
0x86: {  	_ =	shalt  }
0x87: {  	_ =	shalt  }
.Lfunc_end0:
.L_simem_size_0:
called_computation_lowered:
.L_overlay_start_0:
0x88: {  	s2 =	sld [smem:$0x3FD9]  }
0x89: {  	s3 =	sld [smem:$0x3FFE];
	_ =	sdelay $0x1  }
0x8a: {  	s1 =	srdreg.scid  }
0x8b: {  	s0 =	sand.u32 $0x1, s1  }
0x8c: {  	s17 =	sshll.u32 s0, $0xA;
	s2 =	sadd.s32 s3, s2  }
0x8d: {  	s2 =	sadd.s32 s2, s17  }
0x8e: {  	[smem:$0x3FBD] =	sst s2  }
0x8f: {  	_ = 	snop  }
0x90: {  	s2 =	sld [smem:$0x3FD0];
	(tm) =	ssettm $0x1  }
0x91: {  	s18 =	sld [smem:$0x3FFB];
	_ =	sdelay $0x3  }
0x92: {  	_ =	strace s18  }
0x93: {  	s3 =	sld [smem:$0x3FFC];
	_ =	sdelay $0x3  }
0x94: {  	_ =	strace s3  }
0x95: {  	s3 =	sld [smem:$0x3FFD];
	_ =	sdelay $0x3  }
0x96: {  	_ =	strace s3  }
0x97: {  	_ =	strace $0x8FFFFFFF  }
0x98: {  	s19 =	sld [smem:$0x3FDB];
	_ =	sdelay $0x1  }
0x99: {  	s4 =	simm.s32 $_scs_section_size  }
0x9a: {  	s5 =	simm.s32 $_size__tile_overlayer_lowered;
	s6 =	simm.s32 $_tile_overlayer_lowered  }
0x9b: {  	s22 =	simm.s32 $0x1BFF;
	s21 =	sshll.u32 s6, $0x1;
	s3 =	sadd.s32 s4, s19  }
0x9c: {  	s7 =	simm.s32 $0x0;
	s20 =	sshll.u32 s5, $0x1;
	s5 =	sadd.s32 s21, s3  }
0x9d: {  	[timem:s7], [sflag:s22] =	dma.local [hbm:s5], s20  }
0x9e: {  	_ =	swait.ge [sflag:s22], s20  }
0x9f: {  	s4 =	ssub.s32 $0x0, s20;
	[sflag:s22] =	ssyncset.done $0x0  }
0xa0: {  	[sflag:s22] =	ssyncadd.s32 s4;
	_ =	sdelay $0x1  }
0xa1: {  	s23 =	simm.s32 $0x1B8B  }
0xa2: {  	_ =	swait.ge [sflag:s23], $0x1  }
0xa3: {  	[sflag:s23] =	ssyncset.done $0x0  }
0xa4: {  	s25 =	simm.s32 $0x1B8E;
	s24 =	sld [smem:$0x3FFE];
	[sflag:s23] =	ssyncadd.s32 $0xFFFFFFFF  }
0xa5: {  	s26 =	simm.s32 $execute0_lowered;
	[smem:$0x3FD2] =	sst s25  }
0xa6: {  	s5 =	sshll.u32 s26, $0x1;
	_ =	strace $0x80000046;
	[dreg:$0x1] =	wrdreg $0xFFFFFFFF  }
0xa7: {  	s28 =	simm.s32 $_size_execute0_lowered;
	s3 =	sadd.s32 s3, s5;
	[dreg:$0x0] =	wrdreg $0x0  }
0xa8: {  	s5 =	sshll.u32 s28, $0x1;
	[dreg:$0x2] =	wrdreg s3  }
0xa9: {  	[dreg:$0x3] =	wrdreg s5  }
0xaa: {  	[dreg:$0x4] =	wrdreg $0xC0  }
0xab: {  	_ =	task [dreg:s7], $0x5FFFF  }
0xac: {  	[dreg:$0x1] =	wrdreg $0xFFFFFFFF  }
0xad: {  	[dreg:$0x0] =	wrdreg $0x60  }
0xae: {  	[dreg:$0x2] =	wrdreg s2  }
0xaf: {  	[dreg:$0x3] =	wrdreg s24  }
0xb0: {  	[dreg:$0x4] =	wrdreg $0x9  }
0xb1: {  	_ =	task.clear_ibuf [dreg:s7], $0x5FFFF;
	_ =	strace $0x90000046  }
0xb2: {  	s29 =	simm.s32 $0x9;
	_ =	strace $0x80000048  }
0xb3: {  	_ =	swait.ge [sflag:s29], $0x1  }
0xb4: {  	[sflag:s29] =	ssyncadd.s32 $0xFFFFFFFF  }
0xb5: {  	_ =	strace $0x90000048  }
0xb6: {  	_ =	sfence  }
0xb7: {  	s30 =	sld [smem:$0x0];
	_ =	sdelay $0x2  }
0xb8: {  	s31 =	sshll.u32 s1, $0xD;
	s1 =	sshrl.u32 s1, $0x2  }
0xb9: {  	s3 =	sand.u32 $0x4000, s31;
	s1 =	sadd.s32 s1, s30  }
0xba: {  	s0 =	sor.u32 s3, s0;
	s1 =	sshll.u32 s1, $0x11  }
0xbb: {  	s0 =	sor.u32 s1, s0  }
0xbc: {  	s0 =	sadd.s32 $0x8F2B, s0  }
0xbd: {  	[sflag:s0] =	ssyncadd.remote.s32 $0x1  }
0xbe: {  	_ =	sfence.sel $0xFFFF  }
0xbf: {  	[dreg:$0x0] =	wrdreg $0xFFFFFFFF;
	(pc) =	sbr.abs _section_cstart, $3  }
0xc0: {  	[dreg:$0x1] =	wrdreg $0xFFFFFFFF  }
0xc1: {  	_ =	task.clear_ibuf [dreg:s7], $0x2FFFF;
	_ =	strace $0x9FFFFFFF  }
0xc2: {  	(tm) =	ssettm $0x7FFFFFFF  }
0xc3: {  	_ =	shalt  }
tec
execute0_lowered:
.L_overlay_start_1:
0x0: {  	(tag) =	ssettag $0x1  }
0x1: {  	s2 =	rddreg [dreg:$0x0]  }
0x2: {  	s4 =	rddreg [dreg:$0x1]  }
0x3: {  	s3 =	srdreg.scid;
	s0 =	rddreg [dreg:$0x2]  }
0x4: {  	s1 =	stileid.u32;
	s9 =	simm.s32 $0x1000;
	s10 =	simm.s32 $0x5000  }
0x5: {  	s11 =	simm.s32 $0x1;
	s12 =	simm.s32 $0x2;
	s13 =	simm.s32 $0x0  }
0x6: {  	s5 =	sand.u32 $0x1, s3;
	s3 =	simm.s32 $0x0;
	s6 =	sshll.u32 s1, $0xD  }
0x7: {  	s29 =	sshll.u32 s1, $0x11;
	s7 =	sshll.u32 s5, $0xC;
	[smem:$0x7FF] =	sst s3  }
0x8: {  	s8 =	ssub.s32 $0x2, s5;
	s5 =	sshll.u32 s5, $0x10;
	s6 =	sor.u32 s7, s6  }
0x9: {  	_ =	strace $0x80000047;
	s7 =	sadd.s32 s29, s4;
	s30 =	sshrl.u32 s8, $0x1  }
0xa: {  	s6 =	sshrl.u32 s6, $0x3;
	s8 =	ssub.s32 s8, s30;
	s31 =	sadd.s32 s5, s7  }
0xb: {  	s7 =	simm.s32 $0x3;
	s6 =	sadd.s32 s6, s4;
	s5 =	smax.u32 s8, $0x1  }
0xc: {  	s8 =	simm.s32 $0x80;
	s4 =	sadd.s32 $0x2200, s6;
	s6 =	sadd.s32 $0x206A00, s31  }
.LBB2_1:
0xd: {  	[tilespmem:s3], [sflag:$0x3] =	stream.linear.gather [hbm4b:s4+s3], $0x1000, $0x38;
	[tilespmem:$0x9000] =	vst v63  }
0xe: {  	_ =	swait.ge [sflag:s7], $0x1000  }
0xf: {  	[sflag:s7] =	ssyncset.done $0x0  }
0x10: {  	s14 =	simm.s32 $0x0;
	[sflag:s7] =	ssyncadd.s32 $0xFFFFF000  }
0x11: {  	[tilespmem:s9], [sflag:$0x1] =	stream.indirect.gather [hbm4b:s2+s8], $0x80, s14, s8, $0xb8;
	[tilespmem:$0x9000] =	vst v63  }
0x12: {  	s30 =	simm.s32 $0x80  }
0x13: {  	[tilespmem:s10], [sflag:$0x2] =	stream.indirect.gather [hbm4b:s2+s8], $0x80, s30, s8, $0xb8;
	[tilespmem:$0x9000] =	vst v63  }
0x14: {  	_ =	swait.ge [sflag:s11], $0x4000  }
0x15: {  	[sflag:s11] =	ssyncset.done $0x0  }
0x16: {  	s31 =	sadd.s32 $0xFFFFF800, s6;
	[sflag:s11] =	ssyncadd.s32 $0xFFFFC000  }
0x17: {  	[hbm4b:s31+s3] =	stream.linear.scatter [tilespmem:s9], [sflag:$0x3], $0x4000, $0x38;
	[tilespmem:$0x9000] =	vst v63  }
0x18: {  	_ =	swait.ge [sflag:s7], $0x4000  }
0x19: {  	[sflag:s7] =	ssyncset.done $0x0  }
0x1a: {  	[sflag:s7] =	ssyncadd.s32 $0xFFFFC000  }
0x1b: {  	_ =	swait.ge [sflag:s12], $0x4000  }
0x1c: {  	[sflag:s12] =	ssyncset.done $0x0  }
0x1d: {  	[sflag:s12] =	ssyncadd.s32 $0xFFFFC000  }
0x1e: {  	[hbm4b:s6+s3] =	stream.linear.scatter [tilespmem:s10], [sflag:$0x3], $0x4000, $0x38;
	[tilespmem:$0x9000] =	vst v63  }
0x1f: {  	s15 =	simm.s32 $0x400;
	_ =	swait.ge [sflag:s7], $0x4000  }
0x20: {  	s16 =	simm.s32 $0x800;
	s14 =	sadd.s32 $0x1000, s6;
	[sflag:s7] =	ssyncset.done $0x0  }
.LBB2_2:
0x21: {  	s17 =	sshra.s32 s15, $0x2  }
0x22: {  	[sflag:s7] =	ssyncadd.s32 $0xFFFFC000;
	s15 =	smov.u32 s16;
	s18 =	sadd.s32 $0x400, s16  }
0x23: {  	[tilespmem:s9], [sflag:$0x1] =	stream.indirect.gather [hbm4b:s2+s8], $0x80, s17, s8, $0xb8;
	[tilespmem:$0x9000] =	vst v63  }
0x24: {  	p0 =	sne.s32 s16, $0x3C00;
	s16 =	sadd.s32 $0x80, s17  }
0x25: {  	[tilespmem:s10], [sflag:$0x2] =	stream.indirect.gather [hbm4b:s2+s8], $0x80, s16, s8, $0xb8;
	[tilespmem:$0x9000] =	vst v63  }
0x26: {  	_ =	swait.ge [sflag:s11], $0x4000  }
0x27: {  	[sflag:s11] =	ssyncset.done $0x0  }
0x28: {  	s16 =	sadd.s32 $0xFFFFF800, s14;
	[sflag:s11] =	ssyncadd.s32 $0xFFFFC000  }
0x29: {  	[hbm4b:s16+s3] =	stream.linear.scatter [tilespmem:s9], [sflag:$0x3], $0x4000, $0x38;
	[tilespmem:$0x9000] =	vst v63  }
0x2a: {  	_ =	swait.ge [sflag:s7], $0x4000  }
0x2b: {  	[sflag:s7] =	ssyncset.done $0x0  }
0x2c: {  	[sflag:s7] =	ssyncadd.s32 $0xFFFFC000  }
0x2d: {  	_ =	swait.ge [sflag:s12], $0x4000  }
.Ltmp0:
0x2e: {  	[sflag:s12] =	ssyncset.done $0x0;
	(pc) =	sbr.rel @p0 .LBB2_2-.Ltmp0, $4  }
0x2f: {  	[sflag:s12] =	ssyncadd.s32 $0xFFFFC000  }
0x30: {  	[hbm4b:s14+s3] =	stream.linear.scatter [tilespmem:s10], [sflag:$0x3], $0x4000, $0x38;
	[tilespmem:$0x9000] =	vst v63  }
0x31: {  	_ =	swait.ge [sflag:s7], $0x4000  }
0x32: {  	s16 =	smov.u32 s18;
	s14 =	sadd.s32 $0x1000, s14;
	[sflag:s7] =	ssyncset.done $0x0  }
0x33: {  	s15 =	sshra.s32 s15, $0x2;
	[sflag:s7] =	ssyncadd.s32 $0xFFFFC000  }
0x34: {  	[tilespmem:s9], [sflag:$0x1] =	stream.indirect.gather [hbm4b:s2+s8], $0x80, s15, s8, $0xb8;
	[tilespmem:$0x9000] =	vst v63  }
0x35: {  	s15 =	sadd.s32 $0x80, s15  }
0x36: {  	[tilespmem:s10], [sflag:$0x2] =	stream.indirect.gather [hbm4b:s2+s8], $0x80, s15, s8, $0xb8;
	[tilespmem:$0x9000] =	vst v63  }
0x37: {  	_ =	swait.ge [sflag:s11], $0x4000  }
0x38: {  	[sflag:s11] =	ssyncset.done $0x0  }
0x39: {  	s31 =	sadd.s32 $0xFFFFF800, s14;
	[sflag:s11] =	ssyncadd.s32 $0xFFFFC000  }
0x3a: {  	[hbm4b:s31+s3] =	stream.linear.scatter [tilespmem:s9], [sflag:$0x3], $0x4000, $0x38;
	[tilespmem:$0x9000] =	vst v63  }
0x3b: {  	_ =	swait.ge [sflag:s7], $0x4000  }
0x3c: {  	[sflag:s7] =	ssyncset.done $0x0  }
0x3d: {  	[sflag:s7] =	ssyncadd.s32 $0xFFFFC000  }
0x3e: {  	s13 =	sadd.s32 $0x1, s13;
	_ =	swait.ge [sflag:s12], $0x4000  }
0x3f: {  	p0 =	sne.s32 s13, s5;
	[sflag:s12] =	ssyncset.done $0x0  }
.Ltmp1:
0x40: {  	[sflag:s12] =	ssyncadd.s32 $0xFFFFC000;
	(pc) =	sbr.rel @p0 .LBB2_1-.Ltmp1, $4  }
0x41: {  	[hbm4b:s14+s3] =	stream.linear.scatter [tilespmem:s10], [sflag:$0x3], $0x4000, $0x38;
	[tilespmem:$0x9000] =	vst v63  }
0x42: {  	_ =	swait.ge [sflag:s7], $0x4000  }
0x43: {  	[sflag:s7] =	ssyncset.done $0x0  }
0x44: {  	[sflag:s7] =	ssyncadd.s32 $0xFFFFC000  }
0x45: {  	_ =	sfence.sel $0x180000  }
0x46: {  	[bflag:$0x0] =	sbarrier.arrive $0xFFFF  }
0x47: {  	p0 =	sne.s32 s1, $0x0;
	_ =	strace $0x90000047  }
0x48: {  	s0 =	sadd.s32 @!p0 $0x100000, s0;
	[bflag:$0x2] =	sbarrier.arrive $0xFFFF  }
0x49: {  	[sflag:s0] =	ssyncadd.tile.s32 @!p0 $0x1;
	_ =	shalt  }
.Lfunc_end2:
_tile_overlayer_lowered:
.L_overlay_start_2:
0x4a: {  	(tag) =	ssettag $0x2  }
0x4b: {  	s0 =	rddreg [dreg:$0x0];
	s2 =	stileid.u32  }
0x4c: {  	s1 =	rddreg [dreg:$0x1];
	p0 =	sne.s32 s2, $0x0  }
0x4d: {  	s3 =	rddreg [dreg:$0x2];
	[bflag:$0x3] =	sbarrier.arrive $0xFFFF;
	s2 =	simm.s32 @!p0 $0x1C03  }
0x4e: {  	[timem:s3], [sflag:s2] =	dma.local @!p0 [hbm:s0], s1  }
0x4f: {  	s0 =	simm.s32 @!p0 $0x3  }
0x50: {  	_ =	swait.ge @!p0 [sflag:s0], s1  }
0x51: {  	s1 =	ssub.s32 @!p0 $0x0, s1;
	[sflag:s0] =	ssyncset.done @!p0 $0x0  }
0x52: {  	[sflag:s0] =	ssyncadd.s32 @!p0 s1  }
0x53: {  	[bflag:$0x3] =	sbarrier.arrive $0xFFFF  }
0x54: {  	_ =	shalt  }

</sc_bundles>
